<compile_context>
chip_gen: v7x
topology: tpu7x:2x2x1
jax: 0.10.2.dev20260603
libtpu: 0.0.44.dev20260713+nightly
codegen_flags: <defaults>
</compile_context>

<pallas_src>
import jax
import jax.numpy as jnp
from jax.experimental import pallas as pl
from jax.experimental.pallas import tpu as pltpu

B, IN, Q, M, OUT = 4096, 2048, 6, 512, 16
COEFS = (-3.0, -0.834, -0.248, 0.248, 0.834)

B_T = 256
IN_T = 256
FL_T = IN_T * Q


def _stats_body(x_ref, mean_ref, var_ref):
    xb = x_ref[...]
    s = jnp.sum(xb, axis=0)
    ss = jnp.sum(xb * xb, axis=0)
    mean = s * (1.0 / B)
    mean_ref[0, :] = mean
    var_ref[0, :] = ss * (1.0 / B) - mean * mean


def _stats(x):
    return pl.pallas_call(
        _stats_body,
        grid=(IN // 512,),
        in_specs=[pl.BlockSpec((B, 512), lambda i: (0, i))],
        out_specs=[
            pl.BlockSpec((1, 512), lambda i: (0, i)),
            pl.BlockSpec((1, 512), lambda i: (0, i)),
        ],
        out_shape=[
            jax.ShapeDtypeStruct((1, IN), jnp.float32),
            jax.ShapeDtypeStruct((1, IN), jnp.float32),
        ],
    )(x)


def _main_body(x_ref, scale_ref, off_ref, sf_ref, n1_ref, n2_ref, e_ref,
               wmx_ref, flat_ref, acc_ref, g1_ref, g2_ref):
    ii = pl.program_id(1)
    normed = x_ref[...] * scale_ref[0, :] + off_ref[0, :]
    nb = normed.astype(jnp.bfloat16)
    expanded = jnp.dot(nb, e_ref[...], preferred_element_type=jnp.float32)
    flat = jnp.maximum(expanded - sf_ref[0, :], 0.0)
    flat_ref[...] = flat
    pacc = jnp.dot(flat.astype(jnp.bfloat16), wmx_ref[...].astype(jnp.bfloat16),
                   preferred_element_type=jnp.float32)
    rows = jax.lax.broadcasted_iota(jnp.int32, (IN_T, M), 0) + ii * IN_T
    p1 = (rows == n1_ref[...]).astype(jnp.bfloat16)
    p2 = (rows == n2_ref[...]).astype(jnp.bfloat16)
    g1p = jnp.dot(nb, p1, preferred_element_type=jnp.float32)
    g2p = jnp.dot(nb, p2, preferred_element_type=jnp.float32)

    @pl.when(ii == 0)
    def _():
        acc_ref[...] = jnp.zeros_like(acc_ref)
        g1_ref[...] = jnp.zeros_like(g1_ref)
        g2_ref[...] = jnp.zeros_like(g2_ref)

    acc_ref[...] += pacc
    g1_ref[...] += g1p
    g2_ref[...] += g2p


def _main(x, scale, off, shift_flat, n1, n2, e_mat, w_mx):
    return pl.pallas_call(
        _main_body,
        grid=(B // B_T, IN // IN_T),
        in_specs=[
            pl.BlockSpec((B_T, IN_T), lambda ib, ii: (ib, ii)),
            pl.BlockSpec((1, IN_T), lambda ib, ii: (0, ii)),
            pl.BlockSpec((1, IN_T), lambda ib, ii: (0, ii)),
            pl.BlockSpec((1, FL_T), lambda ib, ii: (0, ii)),
            pl.BlockSpec((1, M), lambda ib, ii: (0, 0)),
            pl.BlockSpec((1, M), lambda ib, ii: (0, 0)),
            pl.BlockSpec((IN_T, FL_T), lambda ib, ii: (0, 0)),
            pl.BlockSpec((FL_T, OUT), lambda ib, ii: (ii, 0)),
        ],
        out_specs=[
            pl.BlockSpec((B_T, FL_T), lambda ib, ii: (ib, ii)),
            pl.BlockSpec((B_T, OUT), lambda ib, ii: (ib, 0)),
            pl.BlockSpec((B_T, M), lambda ib, ii: (ib, 0)),
            pl.BlockSpec((B_T, M), lambda ib, ii: (ib, 0)),
        ],
        out_shape=[
            jax.ShapeDtypeStruct((B, IN * Q), jnp.float32),
            jax.ShapeDtypeStruct((B, OUT), jnp.float32),
            jax.ShapeDtypeStruct((B, M), jnp.float32),
            jax.ShapeDtypeStruct((B, M), jnp.float32),
        ],
        compiler_params=pltpu.CompilerParams(
            dimension_semantics=("parallel", "arbitrary"),
        ),
    )(x, scale, off, shift_flat, n1, n2, e_mat, w_mx)


def _combine_body(g1_ref, g2_ref, s1_ref, s2_ref, acc_ref, wmin_ref, b_ref,
                  minx_ref, out_ref):
    d1 = jnp.maximum(g1_ref[...] - s1_ref[0, :], 0.0)
    d2 = jnp.maximum(g2_ref[...] - s2_ref[0, :], 0.0)
    mn = jnp.minimum(d1, d2)
    minx_ref[...] = mn
    out_ref[...] = (acc_ref[...]
                    + jnp.dot(mn, wmin_ref[...], preferred_element_type=jnp.float32)
                    + b_ref[0, 0])


def _combine(g1, g2, s1, s2, acc, w_min, biases):
    return pl.pallas_call(
        _combine_body,
        grid=(B // B_T,),
        in_specs=[
            pl.BlockSpec((B_T, M), lambda ib: (ib, 0)),
            pl.BlockSpec((B_T, M), lambda ib: (ib, 0)),
            pl.BlockSpec((1, M), lambda ib: (0, 0)),
            pl.BlockSpec((1, M), lambda ib: (0, 0)),
            pl.BlockSpec((B_T, OUT), lambda ib: (ib, 0)),
            pl.BlockSpec((M, OUT), lambda ib: (0, 0)),
            pl.BlockSpec((1, 1), lambda ib: (0, 0)),
        ],
        out_specs=[
            pl.BlockSpec((B_T, M), lambda ib: (ib, 0)),
            pl.BlockSpec((B_T, OUT), lambda ib: (ib, 0)),
        ],
        out_shape=[
            jax.ShapeDtypeStruct((B, M), jnp.float32),
            jax.ShapeDtypeStruct((B, OUT), jnp.float32),
        ],
    )(g1, g2, s1, s2, acc, w_min, biases)


def kernel(x, init_struct, beta, gamma, w, biases, chosen_index):
    mean2, var2 = _stats(x)
    mean, var = mean2[0], var2[0]
    inv = jax.lax.rsqrt(var + 0.001)
    scale = gamma * inv
    off = beta - mean * scale
    shift = jnp.concatenate(
        [jnp.zeros((1, IN), jnp.float32)]
        + [((c * var + mean) * gamma - beta)[None, :] for c in COEFS], axis=0)
    shift_flat = jnp.transpose(shift).reshape(1, IN * Q)
    n1 = chosen_index[:, 1]
    q1 = chosen_index[:, 2]
    n2 = chosen_index[:, 3]
    q2 = chosen_index[:, 4]
    s1 = shift[q1, n1][None, :]
    s2 = shift[q2, n2][None, :]
    e_mat = (jnp.arange(FL_T)[None, :] // Q == jnp.arange(IN_T)[:, None]
             ).astype(jnp.bfloat16)
    flat, acc, g1, g2 = _main(x, scale[None, :], off[None, :], shift_flat,
                              n1[None, :], n2[None, :], e_mat, w[:IN * Q])
    min_x, output = _combine(g1, g2, s1, s2, acc, w[IN * Q:], biases.reshape(1, 1))
    max_x = flat.reshape(B, IN, Q)
    return (output, w, max_x, min_x)

# --- scband reference (transcript-rebuilt; emitter-appended) ---
"""Pipeline reference for scband-ehh-layer-9388798509377 (READ-ONLY COPY).

The authoritative reference and input builder live on the scoring server;
editing this copy changes nothing except your own understanding.
"""

import jax, jax.numpy as jnp
import numpy as np

B, IN, Q, M, OUT = 4096, 2048, 6, 512, 16
COEFS = (-3.0, -0.834, -0.248, 0.248, 0.834)


def setup_inputs(seed: int = 0):
    key = jax.random.key(seed)
    k1, k2, k3, k4, k5, k6, k7 = jax.random.split(key, 7)
    x = jax.random.normal(k1, (B, IN), dtype=jnp.float32)
    beta = jnp.zeros((IN,), dtype=jnp.float32)
    gamma = jnp.ones((IN,), dtype=jnp.float32)
    w = jax.random.normal(k2, (M + IN * Q, OUT), dtype=jnp.float32)
    biases = jax.random.normal(k3, (1,), dtype=jnp.float32)
    n1 = jax.random.randint(k4, (M,), 0, IN)
    q1 = jax.random.randint(k5, (M,), 0, Q)
    n2 = jax.random.randint(k6, (M,), 0, IN)
    q2 = jax.random.randint(k7, (M,), 0, Q)
    chosen_index = jnp.stack([jnp.arange(M), n1, q1, n2, q2], axis=1).astype(jnp.int32)
    return {"x": x, "init_struct": 0, "beta": beta, "gamma": gamma, "w": w, "biases": biases, "chosen_index": chosen_index}


def _maxout(x, beta, gamma):
    # Batch_Norm_Layer: EMA with decay=0.5 after register+update of the same value
    # collapses to the batch statistics themselves.
    mean = jnp.mean(x, axis=0)
    var = jnp.var(x, axis=0)
    normed = gamma * (x - mean) / jnp.sqrt(var + 0.001) + beta
    outs = [jnp.maximum(0.0, normed)]
    for c in COEFS:
        quant = c * var + mean
        outs.append(jnp.maximum(0.0, normed - quant * gamma + beta))
    max_x = jnp.stack(outs, axis=0)  # (Q, B, IN)
    return jnp.transpose(max_x, (1, 2, 0))  # (B, IN, Q)


def reference(x, init_struct, beta, gamma, w, biases, chosen_index):
    # init_struct=False (test-mode) path: pairwise-min over pre-chosen index pairs.
    max_x = _maxout(x, beta, gamma)
    D1 = max_x[:, chosen_index[:, 1], chosen_index[:, 2]]  # gather -> (B, M)
    D2 = max_x[:, chosen_index[:, 3], chosen_index[:, 4]]  # gather -> (B, M)
    min_x = jnp.minimum(D1, D2)
    feat = jnp.concatenate([max_x.reshape(max_x.shape[0], -1), min_x], axis=1)
    output = feat @ w + biases
    return (output, w, max_x, min_x)

if __name__ == "__main__":
    import jax
    _d = setup_inputs()
    print(jax.jit(kernel)(*tuple(_d.values())))

</pallas_src>

<mosaic_0001>
module attributes {stable_mosaic.version = 14 : i64} {
  func.func @_stats_body(%arg0: i32, %arg1: memref<4096x512xf32, #tpu.memory_space<vmem>>, %arg2: memref<1x512xf32, #tpu.memory_space<vmem>>, %arg3: memref<1x512xf32, #tpu.memory_space<vmem>>) attributes {dimension_semantics = [#tpu.dimension_semantics<arbitrary>], iteration_bounds = array<i64: 4>, scalar_prefetch = 0 : i64, scratch_operands = 0 : i64, tpu.core_type = #tpu.core_type<tc>, window_params = [{transform_indices = @transform_0, window_bounds = array<i64: 4096, 512>}, {transform_indices = @transform_1, window_bounds = array<i64: 1, 512>}, {transform_indices = @transform_2, window_bounds = array<i64: 1, 512>}]} {
    %get3A = arith.constant 0 : index
    %get3A_0 = arith.constant 0 : index
    %get3A_1 = vector.load %arg1[%get3A, %get3A_0] : memref<4096x512xf32, #tpu.memory_space<vmem>>, vector<4096x512xf32>
    %reduce_sum3A = arith.constant dense<0.000000e+00> : vector<512xf32>
    %reduce_sum3A_2 = vector.multi_reduction <add>, %get3A_1, %reduce_sum3A [0] : vector<4096x512xf32> to vector<512xf32>
    %mul3A = arith.mulf %get3A_1, %get3A_1 : vector<4096x512xf32>
    %reduce_sum3A_3 = arith.constant dense<0.000000e+00> : vector<512xf32>
    %reduce_sum3A_4 = vector.multi_reduction <add>, %mul3A, %reduce_sum3A_3 [0] : vector<4096x512xf32> to vector<512xf32>
    %mul3A_5 = arith.constant 2.44140625E-4 : f32
    %mul3A_6 = vector.broadcast %mul3A_5 : f32 to vector<512xf32>
    %mul3A_7 = arith.mulf %reduce_sum3A_2, %mul3A_6 : vector<512xf32>
    %swap3A = arith.constant 0 : index
    %swap3A_8 = arith.constant 0 : index
    %swap3A_9 = vector.load %arg2[%swap3A, %swap3A_8] : memref<1x512xf32, #tpu.memory_space<vmem>>, vector<1x512xf32>
    %swap3A_10 = vector.shape_cast %swap3A_9 : vector<1x512xf32> to vector<512xf32>
    %swap3A_11 = vector.shape_cast %mul3A_7 : vector<512xf32> to vector<1x512xf32>
    tpu.vector_store %arg2[%swap3A, %swap3A_8], %swap3A_11 {strides = array<i32>} : memref<1x512xf32, #tpu.memory_space<vmem>>, vector<1x512xf32>,
    %mul3A_12 = arith.constant 2.44140625E-4 : f32
    %mul3A_13 = vector.broadcast %mul3A_12 : f32 to vector<512xf32>
    %mul3A_14 = arith.mulf %reduce_sum3A_4, %mul3A_13 : vector<512xf32>
    %mul3A_15 = arith.mulf %mul3A_7, %mul3A_7 : vector<512xf32>
    %sub3A = arith.subf %mul3A_14, %mul3A_15 : vector<512xf32>
    %swap3A_16 = arith.constant 0 : index
    %swap3A_17 = arith.constant 0 : index
    %swap3A_18 = vector.load %arg3[%swap3A_16, %swap3A_17] : memref<1x512xf32, #tpu.memory_space<vmem>>, vector<1x512xf32>
    %swap3A_19 = vector.shape_cast %swap3A_18 : vector<1x512xf32> to vector<512xf32>
    %swap3A_20 = vector.shape_cast %sub3A : vector<512xf32> to vector<1x512xf32>
    tpu.vector_store %arg3[%swap3A_16, %swap3A_17], %swap3A_20 {strides = array<i32>} : memref<1x512xf32, #tpu.memory_space<vmem>>, vector<1x512xf32>,
    return
  }
  func.func @transform_0(%arg0: i32) -> (i32, i32) {
    %c0_i32 = arith.constant 0 : i32
    %c0_i32_0 = arith.constant 0 : i32
    return %c0_i32, %arg0 : i32, i32
  }
  func.func @transform_1(%arg0: i32) -> (i32, i32) {
    %c0_i32 = arith.constant 0 : i32
    %c0_i32_0 = arith.constant 0 : i32
    return %c0_i32, %arg0 : i32, i32
  }
  func.func @transform_2(%arg0: i32) -> (i32, i32) {
    %c0_i32 = arith.constant 0 : i32
    %c0_i32_0 = arith.constant 0 : i32
    return %c0_i32, %arg0 : i32, i32
  }
}

module attributes {stable_mosaic.version = 14 : i64} {
  func.func @_main_body(%arg0: i32, %arg1: i32, %arg2: memref<256x256xf32, #tpu.memory_space<vmem>>, %arg3: memref<1x256xf32, #tpu.memory_space<vmem>>, %arg4: memref<1x256xf32, #tpu.memory_space<vmem>>, %arg5: memref<1x1536xf32, #tpu.memory_space<vmem>>, %arg6: memref<1x512xi32, #tpu.memory_space<vmem>>, %arg7: memref<1x512xi32, #tpu.memory_space<vmem>>, %arg8: memref<256x1536xbf16, #tpu.memory_space<vmem>>, %arg9: memref<1536x16xf32, #tpu.memory_space<vmem>>, %arg10: memref<256x1536xf32, #tpu.memory_space<vmem>>, %arg11: memref<256x16xf32, #tpu.memory_space<vmem>>, %arg12: memref<256x512xf32, #tpu.memory_space<vmem>>, %arg13: memref<256x512xf32, #tpu.memory_space<vmem>>) attributes {dimension_semantics = [#tpu.dimension_semantics<parallel>, #tpu.dimension_semantics<arbitrary>], iteration_bounds = array<i64: 16, 8>, scalar_prefetch = 0 : i64, scratch_operands = 0 : i64, tpu.core_type = #tpu.core_type<tc>, window_params = [{transform_indices = @transform_0, window_bounds = array<i64: 256, 256>}, {transform_indices = @transform_1, window_bounds = array<i64: 1, 256>}, {transform_indices = @transform_2, window_bounds = array<i64: 1, 256>}, {transform_indices = @transform_3, window_bounds = array<i64: 1, 1536>}, {pipeline_mode = #tpu.pipeline_mode<synchronous>, transform_indices = @transform_4, window_bounds = array<i64: 1, 512>}, {pipeline_mode = #tpu.pipeline_mode<synchronous>, transform_indices = @transform_5, window_bounds = array<i64: 1, 512>}, {pipeline_mode = #tpu.pipeline_mode<synchronous>, transform_indices = @transform_6, window_bounds = array<i64: 256, 1536>}, {transform_indices = @transform_7, window_bounds = array<i64: 1536, 16>}, {transform_indices = @transform_8, window_bounds = array<i64: 256, 1536>}, {transform_indices = @transform_9, window_bounds = array<i64: 256, 16>}, {transform_indices = @transform_10, window_bounds = array<i64: 256, 512>}, {transform_indices = @transform_11, window_bounds = array<i64: 256, 512>}]} {
    %get3A = arith.constant 0 : index
    %get3A_0 = arith.constant 0 : index
    %get3A_1 = vector.load %arg2[%get3A, %get3A_0] : memref<256x256xf32, #tpu.memory_space<vmem>>, vector<256x256xf32>
    %get3A_2 = arith.constant 0 : index
    %get3A_3 = arith.constant 0 : index
    %get3A_4 = vector.load %arg3[%get3A_2, %get3A_3] : memref<1x256xf32, #tpu.memory_space<vmem>>, vector<1x256xf32>
    %get3A_5 = vector.shape_cast %get3A_4 : vector<1x256xf32> to vector<256xf32>
    %broadcast_in_dim3A = vector.shape_cast %get3A_5 : vector<256xf32> to vector<1x256xf32>
    %mul3A = vector.broadcast %broadcast_in_dim3A : vector<1x256xf32> to vector<256x256xf32>
    %mul3A_6 = arith.mulf %get3A_1, %mul3A : vector<256x256xf32>
    %get3A_7 = arith.constant 0 : index
    %get3A_8 = arith.constant 0 : index
    %get3A_9 = vector.load %arg4[%get3A_7, %get3A_8] : memref<1x256xf32, #tpu.memory_space<vmem>>, vector<1x256xf32>
    %get3A_10 = vector.shape_cast %get3A_9 : vector<1x256xf32> to vector<256xf32>
    %broadcast_in_dim3A_11 = vector.shape_cast %get3A_10 : vector<256xf32> to vector<1x256xf32>
    %add3A = vector.broadcast %broadcast_in_dim3A_11 : vector<1x256xf32> to vector<256x256xf32>
    %add3A_12 = arith.addf %mul3A_6, %add3A : vector<256x256xf32>
    %convert_element_type3A = arith.truncf %add3A_12 : vector<256x256xf32> to vector<256x256xbf16>
    %get3A_13 = arith.constant 0 : index
    %get3A_14 = arith.constant 0 : index
    %get3A_15 = vector.load %arg8[%get3A_13, %get3A_14] : memref<256x1536xbf16, #tpu.memory_space<vmem>>, vector<256x1536xbf16>
    %dot_general3A = arith.constant dense<0.000000e+00> : vector<256x1536xf32>
    %dot_general3A_16 = tpu.matmul %convert_element_type3A, %get3A_15, %dot_general3A {dimension_numbers = #tpu.dot_dimension_numbers<[1], [0], [0], [1], [0, 0, 1, 1], [], []>, transpose_lhs_hint = false} : vector<256x256xbf16>, vector<256x1536xbf16>, vector<256x1536xf32> -> vector<256x1536xf32>
    %get3A_17 = arith.constant 0 : index
    %get3A_18 = arith.constant 0 : index
    %get3A_19 = vector.load %arg5[%get3A_17, %get3A_18] : memref<1x1536xf32, #tpu.memory_space<vmem>>, vector<1x1536xf32>
    %get3A_20 = vector.shape_cast %get3A_19 : vector<1x1536xf32> to vector<1536xf32>
    %broadcast_in_dim3A_21 = vector.shape_cast %get3A_20 : vector<1536xf32> to vector<1x1536xf32>
    %sub3A = vector.broadcast %broadcast_in_dim3A_21 : vector<1x1536xf32> to vector<256x1536xf32>
    %sub3A_22 = arith.subf %dot_general3A_16, %sub3A : vector<256x1536xf32>
    %max3A = arith.constant 0.000000e+00 : f32
    %max3A_23 = vector.broadcast %max3A : f32 to vector<256x1536xf32>
    %max3A_24 = arith.maximumf %sub3A_22, %max3A_23 : vector<256x1536xf32>
    %swap3A = arith.constant 0 : index
    %swap3A_25 = arith.constant 0 : index
    %swap3A_26 = vector.load %arg10[%swap3A, %swap3A_25] : memref<256x1536xf32, #tpu.memory_space<vmem>>, vector<256x1536xf32>
    tpu.vector_store %arg10[%swap3A, %swap3A_25], %max3A_24 {strides = array<i32>} : memref<256x1536xf32, #tpu.memory_space<vmem>>, vector<256x1536xf32>,
    %convert_element_type3A_27 = arith.truncf %max3A_24 : vector<256x1536xf32> to vector<256x1536xbf16>
    %get3A_28 = arith.constant 0 : index
    %get3A_29 = arith.constant 0 : index
    %get3A_30 = vector.load %arg9[%get3A_28, %get3A_29] : memref<1536x16xf32, #tpu.memory_space<vmem>>, vector<1536x16xf32>
    %convert_element_type3A_31 = arith.truncf %get3A_30 : vector<1536x16xf32> to vector<1536x16xbf16>
    %dot_general3A_32 = arith.constant dense<0.000000e+00> : vector<256x16xf32>
    %dot_general3A_33 = tpu.matmul %convert_element_type3A_27, %convert_element_type3A_31, %dot_general3A_32 {dimension_numbers = #tpu.dot_dimension_numbers<[1], [0], [0], [1], [0, 0, 1, 1], [], []>, transpose_lhs_hint = false} : vector<256x1536xbf16>, vector<1536x16xbf16>, vector<256x16xf32> -> vector<256x16xf32>
    %iota3A = tpu.iota {dimensions = array<i32: 0>} : vector<256x512xi32>
    %mul3A_34 = arith.constant 256 : i32
    %mul3A_35 = arith.muli %arg1, %mul3A_34 : i32
    %add3A_36 = vector.broadcast %mul3A_35 : i32 to vector<256x512xi32>
    %add3A_37 = arith.addi %iota3A, %add3A_36 : vector<256x512xi32>
    %get3A_38 = arith.constant 0 : index
    %get3A_39 = arith.constant 0 : index
    %get3A_40 = vector.load %arg6[%get3A_38, %get3A_39] : memref<1x512xi32, #tpu.memory_space<vmem>>, vector<1x512xi32>
    %eq3A = vector.broadcast %get3A_40 : vector<1x512xi32> to vector<256x512xi32>
    %eq3A_41 = arith.cmpi eq, %add3A_37, %eq3A : vector<256x512xi32>
    %convert_element_type3A_42 = arith.extui %eq3A_41 : vector<256x512xi1> to vector<256x512xi32>
    %convert_element_type3A_43 = arith.sitofp %convert_element_type3A_42 : vector<256x512xi32> to vector<256x512xf32>
    %convert_element_type3A_44 = arith.truncf %convert_element_type3A_43 : vector<256x512xf32> to vector<256x512xbf16>
    %get3A_45 = arith.constant 0 : index
    %get3A_46 = arith.constant 0 : index
    %get3A_47 = vector.load %arg7[%get3A_45, %get3A_46] : memref<1x512xi32, #tpu.memory_space<vmem>>, vector<1x512xi32>
    %eq3A_48 = vector.broadcast %get3A_47 : vector<1x512xi32> to vector<256x512xi32>
    %eq3A_49 = arith.cmpi eq, %add3A_37, %eq3A_48 : vector<256x512xi32>
    %convert_element_type3A_50 = arith.extui %eq3A_49 : vector<256x512xi1> to vector<256x512xi32>
    %convert_element_type3A_51 = arith.sitofp %convert_element_type3A_50 : vector<256x512xi32> to vector<256x512xf32>
    %convert_element_type3A_52 = arith.truncf %convert_element_type3A_51 : vector<256x512xf32> to vector<256x512xbf16>
    %dot_general3A_53 = arith.constant dense<0.000000e+00> : vector<256x512xf32>
    %dot_general3A_54 = tpu.matmul %convert_element_type3A, %convert_element_type3A_44, %dot_general3A_53 {dimension_numbers = #tpu.dot_dimension_numbers<[1], [0], [0], [1], [0, 0, 1, 1], [], []>, transpose_lhs_hint = false} : vector<256x256xbf16>, vector<256x512xbf16>, vector<256x512xf32> -> vector<256x512xf32>
    %dot_general3A_55 = arith.constant dense<0.000000e+00> : vector<256x512xf32>
    %dot_general3A_56 = tpu.matmul %convert_element_type3A, %convert_element_type3A_52, %dot_general3A_55 {dimension_numbers = #tpu.dot_dimension_numbers<[1], [0], [0], [1], [0, 0, 1, 1], [], []>, transpose_lhs_hint = false} : vector<256x256xbf16>, vector<256x512xbf16>, vector<256x512xf32> -> vector<256x512xf32>
    %eq3A_57 = arith.constant 0 : i32
    %eq3A_58 = arith.cmpi eq, %arg1, %eq3A_57 : i32
    %convert_element_type3A_59 = arith.extui %eq3A_58 : i1 to i32
    %cond3A = arith.constant 0 : i32
    %cond3A_60 = arith.cmpi ne, %convert_element_type3A_59, %cond3A : i32
    scf.if %cond3A_60 {
      %broadcast_in_dim3A_82 = arith.constant 0.000000e+00 : f32
      %broadcast_in_dim3A_83 = vector.broadcast %broadcast_in_dim3A_82 : f32 to vector<256x16xf32>
      %swap3A_84 = arith.constant 0 : index
      %swap3A_85 = arith.constant 0 : index
      %swap3A_86 = vector.load %arg11[%swap3A_84, %swap3A_85] : memref<256x16xf32, #tpu.memory_space<vmem>>, vector<256x16xf32>
      tpu.vector_store %arg11[%swap3A_84, %swap3A_85], %broadcast_in_dim3A_83 {strides = array<i32>} : memref<256x16xf32, #tpu.memory_space<vmem>>, vector<256x16xf32>,
      %broadcast_in_dim3A_87 = arith.constant 0.000000e+00 : f32
      %broadcast_in_dim3A_88 = vector.broadcast %broadcast_in_dim3A_87 : f32 to vector<256x512xf32>
      %swap3A_89 = arith.constant 0 : index
      %swap3A_90 = arith.constant 0 : index
      %swap3A_91 = vector.load %arg12[%swap3A_89, %swap3A_90] : memref<256x512xf32, #tpu.memory_space<vmem>>, vector<256x512xf32>
      tpu.vector_store %arg12[%swap3A_89, %swap3A_90], %broadcast_in_dim3A_88 {strides = array<i32>} : memref<256x512xf32, #tpu.memory_space<vmem>>, vector<256x512xf32>,
      %broadcast_in_dim3A_92 = arith.constant 0.000000e+00 : f32
      %broadcast_in_dim3A_93 = vector.broadcast %broadcast_in_dim3A_92 : f32 to vector<256x512xf32>
      %swap3A_94 = arith.constant 0 : index
      %swap3A_95 = arith.constant 0 : index
      %swap3A_96 = vector.load %arg13[%swap3A_94, %swap3A_95] : memref<256x512xf32, #tpu.memory_space<vmem>>, vector<256x512xf32>
      tpu.vector_store %arg13[%swap3A_94, %swap3A_95], %broadcast_in_dim3A_93 {strides = array<i32>} : memref<256x512xf32, #tpu.memory_space<vmem>>, vector<256x512xf32>,
    } else {
    }
    %get3A_61 = arith.constant 0 : index
    %get3A_62 = arith.constant 0 : index
    %get3A_63 = vector.load %arg11[%get3A_61, %get3A_62] : memref<256x16xf32, #tpu.memory_space<vmem>>, vector<256x16xf32>
    %add3A_64 = arith.addf %get3A_63, %dot_general3A_33 : vector<256x16xf32>
    %swap3A_65 = arith.constant 0 : index
    %swap3A_66 = arith.constant 0 : index
    %swap3A_67 = vector.load %arg11[%swap3A_65, %swap3A_66] : memref<256x16xf32, #tpu.memory_space<vmem>>, vector<256x16xf32>
    tpu.vector_store %arg11[%swap3A_65, %swap3A_66], %add3A_64 {strides = array<i32>} : memref<256x16xf32, #tpu.memory_space<vmem>>, vector<256x16xf32>,
    %get3A_68 = arith.constant 0 : index
    %get3A_69 = arith.constant 0 : index
    %get3A_70 = vector.load %arg12[%get3A_68, %get3A_69] : memref<256x512xf32, #tpu.memory_space<vmem>>, vector<256x512xf32>
    %add3A_71 = arith.addf %get3A_70, %dot_general3A_54 : vector<256x512xf32>
    %swap3A_72 = arith.constant 0 : index
    %swap3A_73 = arith.constant 0 : index
    %swap3A_74 = vector.load %arg12[%swap3A_72, %swap3A_73] : memref<256x512xf32, #tpu.memory_space<vmem>>, vector<256x512xf32>
    tpu.vector_store %arg12[%swap3A_72, %swap3A_73], %add3A_71 {strides = array<i32>} : memref<256x512xf32, #tpu.memory_space<vmem>>, vector<256x512xf32>,
    %get3A_75 = arith.constant 0 : index
    %get3A_76 = arith.constant 0 : index
    %get3A_77 = vector.load %arg13[%get3A_75, %get3A_76] : memref<256x512xf32, #tpu.memory_space<vmem>>, vector<256x512xf32>
    %add3A_78 = arith.addf %get3A_77, %dot_general3A_56 : vector<256x512xf32>
    %swap3A_79 = arith.constant 0 : index
    %swap3A_80 = arith.constant 0 : index
    %swap3A_81 = vector.load %arg13[%swap3A_79, %swap3A_80] : memref<256x512xf32, #tpu.memory_space<vmem>>, vector<256x512xf32>
    tpu.vector_store %arg13[%swap3A_79, %swap3A_80], %add3A_78 {strides = array<i32>} : memref<256x512xf32, #tpu.memory_space<vmem>>, vector<256x512xf32>,
    return
  }
  func.func @transform_0(%arg0: i32, %arg1: i32) -> (i32, i32) {
    %c0_i32 = arith.constant 0 : i32
    return %arg0, %arg1 : i32, i32
  }
  func.func @transform_1(%arg0: i32, %arg1: i32) -> (i32, i32) {
    %c0_i32 = arith.constant 0 : i32
    %c0_i32_0 = arith.constant 0 : i32
    return %c0_i32, %arg1 : i32, i32
  }
  func.func @transform_2(%arg0: i32, %arg1: i32) -> (i32, i32) {
    %c0_i32 = arith.constant 0 : i32
    %c0_i32_0 = arith.constant 0 : i32
    return %c0_i32, %arg1 : i32, i32
  }
  func.func @transform_3(%arg0: i32, %arg1: i32) -> (i32, i32) {
    %c0_i32 = arith.constant 0 : i32
    %c0_i32_0 = arith.constant 0 : i32
    return %c0_i32, %arg1 : i32, i32
  }
  func.func @transform_4(%arg0: i32, %arg1: i32) -> (i32, i32) {
    %c0_i32 = arith.constant 0 : i32
    %c0_i32_0 = arith.constant 0 : i32
    %c0_i32_1 = arith.constant 0 : i32
    return %c0_i32, %c0_i32_0 : i32, i32
  }
  func.func @transform_5(%arg0: i32, %arg1: i32) -> (i32, i32) {
    %c0_i32 = arith.constant 0 : i32
    %c0_i32_0 = arith.constant 0 : i32
    %c0_i32_1 = arith.constant 0 : i32
    return %c0_i32, %c0_i32_0 : i32, i32
  }
  func.func @transform_6(%arg0: i32, %arg1: i32) -> (i32, i32) {
    %c0_i32 = arith.constant 0 : i32
    %c0_i32_0 = arith.constant 0 : i32
    %c0_i32_1 = arith.constant 0 : i32
    return %c0_i32, %c0_i32_0 : i32, i32
  }
  func.func @transform_7(%arg0: i32, %arg1: i32) -> (i32, i32) {
    %c0_i32 = arith.constant 0 : i32
    %c0_i32_0 = arith.constant 0 : i32
    return %arg1, %c0_i32 : i32, i32
  }
  func.func @transform_8(%arg0: i32, %arg1: i32) -> (i32, i32) {
    %c0_i32 = arith.constant 0 : i32
    return %arg0, %arg1 : i32, i32
  }
  func.func @transform_9(%arg0: i32, %arg1: i32) -> (i32, i32) {
    %c0_i32 = arith.constant 0 : i32
    %c0_i32_0 = arith.constant 0 : i32
    return %arg0, %c0_i32 : i32, i32
  }
  func.func @transform_10(%arg0: i32, %arg1: i32) -> (i32, i32) {
    %c0_i32 = arith.constant 0 : i32
    %c0_i32_0 = arith.constant 0 : i32
    return %arg0, %c0_i32 : i32, i32
  }
  func.func @transform_11(%arg0: i32, %arg1: i32) -> (i32, i32) {
    %c0_i32 = arith.constant 0 : i32
    %c0_i32_0 = arith.constant 0 : i32
    return %arg0, %c0_i32 : i32, i32
  }
}

module attributes {stable_mosaic.version = 14 : i64} {
  func.func @_combine_body(%arg0: i32, %arg1: memref<256x512xf32, #tpu.memory_space<vmem>>, %arg2: memref<256x512xf32, #tpu.memory_space<vmem>>, %arg3: memref<1x512xf32, #tpu.memory_space<vmem>>, %arg4: memref<1x512xf32, #tpu.memory_space<vmem>>, %arg5: memref<256x16xf32, #tpu.memory_space<vmem>>, %arg6: memref<512x16xf32, #tpu.memory_space<vmem>>, %arg7: memref<1x1xf32, #tpu.memory_space<vmem>>, %arg8: memref<256x512xf32, #tpu.memory_space<vmem>>, %arg9: memref<256x16xf32, #tpu.memory_space<vmem>>) attributes {dimension_semantics = [#tpu.dimension_semantics<arbitrary>], iteration_bounds = array<i64: 16>, scalar_prefetch = 0 : i64, scratch_operands = 0 : i64, tpu.core_type = #tpu.core_type<tc>, window_params = [{transform_indices = @transform_0, window_bounds = array<i64: 256, 512>}, {transform_indices = @transform_1, window_bounds = array<i64: 256, 512>}, {pipeline_mode = #tpu.pipeline_mode<synchronous>, transform_indices = @transform_2, window_bounds = array<i64: 1, 512>}, {pipeline_mode = #tpu.pipeline_mode<synchronous>, transform_indices = @transform_3, window_bounds = array<i64: 1, 512>}, {transform_indices = @transform_4, window_bounds = array<i64: 256, 16>}, {pipeline_mode = #tpu.pipeline_mode<synchronous>, transform_indices = @transform_5, window_bounds = array<i64: 512, 16>}, {pipeline_mode = #tpu.pipeline_mode<synchronous>, transform_indices = @transform_6, window_bounds = array<i64: 1, 1>}, {transform_indices = @transform_7, window_bounds = array<i64: 256, 512>}, {transform_indices = @transform_8, window_bounds = array<i64: 256, 16>}]} {
    %get3A = arith.constant 0 : index
    %get3A_0 = arith.constant 0 : index
    %get3A_1 = vector.load %arg1[%get3A, %get3A_0] : memref<256x512xf32, #tpu.memory_space<vmem>>, vector<256x512xf32>
    %get3A_2 = arith.constant 0 : index
    %get3A_3 = arith.constant 0 : index
    %get3A_4 = vector.load %arg3[%get3A_2, %get3A_3] : memref<1x512xf32, #tpu.memory_space<vmem>>, vector<1x512xf32>
    %get3A_5 = vector.shape_cast %get3A_4 : vector<1x512xf32> to vector<512xf32>
    %broadcast_in_dim3A = vector.shape_cast %get3A_5 : vector<512xf32> to vector<1x512xf32>
    %sub3A = vector.broadcast %broadcast_in_dim3A : vector<1x512xf32> to vector<256x512xf32>
    %sub3A_6 = arith.subf %get3A_1, %sub3A : vector<256x512xf32>
    %max3A = arith.constant 0.000000e+00 : f32
    %max3A_7 = vector.broadcast %max3A : f32 to vector<256x512xf32>
    %max3A_8 = arith.maximumf %sub3A_6, %max3A_7 : vector<256x512xf32>
    %get3A_9 = arith.constant 0 : index
    %get3A_10 = arith.constant 0 : index
    %get3A_11 = vector.load %arg2[%get3A_9, %get3A_10] : memref<256x512xf32, #tpu.memory_space<vmem>>, vector<256x512xf32>
    %get3A_12 = arith.constant 0 : index
    %get3A_13 = arith.constant 0 : index
    %get3A_14 = vector.load %arg4[%get3A_12, %get3A_13] : memref<1x512xf32, #tpu.memory_space<vmem>>, vector<1x512xf32>
    %get3A_15 = vector.shape_cast %get3A_14 : vector<1x512xf32> to vector<512xf32>
    %broadcast_in_dim3A_16 = vector.shape_cast %get3A_15 : vector<512xf32> to vector<1x512xf32>
    %sub3A_17 = vector.broadcast %broadcast_in_dim3A_16 : vector<1x512xf32> to vector<256x512xf32>
    %sub3A_18 = arith.subf %get3A_11, %sub3A_17 : vector<256x512xf32>
    %max3A_19 = arith.constant 0.000000e+00 : f32
    %max3A_20 = vector.broadcast %max3A_19 : f32 to vector<256x512xf32>
    %max3A_21 = arith.maximumf %sub3A_18, %max3A_20 : vector<256x512xf32>
    %min3A = arith.minimumf %max3A_8, %max3A_21 : vector<256x512xf32>
    %swap3A = arith.constant 0 : index
    %swap3A_22 = arith.constant 0 : index
    %swap3A_23 = vector.load %arg8[%swap3A, %swap3A_22] : memref<256x512xf32, #tpu.memory_space<vmem>>, vector<256x512xf32>
    tpu.vector_store %arg8[%swap3A, %swap3A_22], %min3A {strides = array<i32>} : memref<256x512xf32, #tpu.memory_space<vmem>>, vector<256x512xf32>,
    %get3A_24 = arith.constant 0 : index
    %get3A_25 = arith.constant 0 : index
    %get3A_26 = vector.load %arg5[%get3A_24, %get3A_25] : memref<256x16xf32, #tpu.memory_space<vmem>>, vector<256x16xf32>
    %get3A_27 = arith.constant 0 : index
    %get3A_28 = arith.constant 0 : index
    %get3A_29 = vector.load %arg6[%get3A_27, %get3A_28] : memref<512x16xf32, #tpu.memory_space<vmem>>, vector<512x16xf32>
    %dot_general3A = arith.constant dense<0.000000e+00> : vector<256x16xf32>
    %dot_general3A_30 = tpu.matmul %min3A, %get3A_29, %dot_general3A {dimension_numbers = #tpu.dot_dimension_numbers<[1], [0], [0], [1], [0, 0, 1, 1], [], []>, transpose_lhs_hint = false} : vector<256x512xf32>, vector<512x16xf32>, vector<256x16xf32> -> vector<256x16xf32>
    %add3A = arith.addf %get3A_26, %dot_general3A_30 : vector<256x16xf32>
    %get3A_31 = arith.constant 0 : index
    %get3A_32 = arith.constant 0 : index
    %get3A_33 = vector.load %arg7[%get3A_31, %get3A_32] : memref<1x1xf32, #tpu.memory_space<vmem>>, vector<1x1xf32>
    %get3A_34 = vector.extract %get3A_33[0, 0] : f32 from vector<1x1xf32>
    %add3A_35 = vector.broadcast %get3A_34 : f32 to vector<256x16xf32>
    %add3A_36 = arith.addf %add3A, %add3A_35 : vector<256x16xf32>
    %swap3A_37 = arith.constant 0 : index
    %swap3A_38 = arith.constant 0 : index
    %swap3A_39 = vector.load %arg9[%swap3A_37, %swap3A_38] : memref<256x16xf32, #tpu.memory_space<vmem>>, vector<256x16xf32>
    tpu.vector_store %arg9[%swap3A_37, %swap3A_38], %add3A_36 {strides = array<i32>} : memref<256x16xf32, #tpu.memory_space<vmem>>, vector<256x16xf32>,
    return
  }
  func.func @transform_0(%arg0: i32) -> (i32, i32) {
    %c0_i32 = arith.constant 0 : i32
    %c0_i32_0 = arith.constant 0 : i32
    return %arg0, %c0_i32 : i32, i32
  }
  func.func @transform_1(%arg0: i32) -> (i32, i32) {
    %c0_i32 = arith.constant 0 : i32
    %c0_i32_0 = arith.constant 0 : i32
    return %arg0, %c0_i32 : i32, i32
  }
  func.func @transform_2(%arg0: i32) -> (i32, i32) {
    %c0_i32 = arith.constant 0 : i32
    %c0_i32_0 = arith.constant 0 : i32
    %c0_i32_1 = arith.constant 0 : i32
    return %c0_i32, %c0_i32_0 : i32, i32
  }
  func.func @transform_3(%arg0: i32) -> (i32, i32) {
    %c0_i32 = arith.constant 0 : i32
    %c0_i32_0 = arith.constant 0 : i32
    %c0_i32_1 = arith.constant 0 : i32
    return %c0_i32, %c0_i32_0 : i32, i32
  }
  func.func @transform_4(%arg0: i32) -> (i32, i32) {
    %c0_i32 = arith.constant 0 : i32
    %c0_i32_0 = arith.constant 0 : i32
    return %arg0, %c0_i32 : i32, i32
  }
  func.func @transform_5(%arg0: i32) -> (i32, i32) {
    %c0_i32 = arith.constant 0 : i32
    %c0_i32_0 = arith.constant 0 : i32
    %c0_i32_1 = arith.constant 0 : i32
    return %c0_i32, %c0_i32_0 : i32, i32
  }
  func.func @transform_6(%arg0: i32) -> (i32, i32) {
    %c0_i32 = arith.constant 0 : i32
    %c0_i32_0 = arith.constant 0 : i32
    %c0_i32_1 = arith.constant 0 : i32
    return %c0_i32, %c0_i32_0 : i32, i32
  }
  func.func @transform_7(%arg0: i32) -> (i32, i32) {
    %c0_i32 = arith.constant 0 : i32
    %c0_i32_0 = arith.constant 0 : i32
    return %arg0, %c0_i32 : i32, i32
  }
  func.func @transform_8(%arg0: i32) -> (i32, i32) {
    %c0_i32 = arith.constant 0 : i32
    %c0_i32_0 = arith.constant 0 : i32
    return %arg0, %c0_i32 : i32, i32
  }
}

</mosaic_0001>

<sc_bundles>
// kernel: sparse-core-data-format-call.cloned.1.call-start
scs
called_computation_lowered:
.L_overlay_start_0:
0x0: {  	s2 =	sld [smem:$0x3FD9]  }
0x1: {  	s3 =	sld [smem:$0x3FFE];
	_ =	sdelay $0x1  }
0x2: {  	s1 =	srdreg.scid  }
0x3: {  	s0 =	sand.u32 $0x1, s1  }
0x4: {  	s15 =	sshll.u32 s0, $0xA;
	s2 =	sadd.s32 s3, s2  }
0x5: {  	s2 =	sadd.s32 s2, s15  }
0x6: {  	[smem:$0x3FC2] =	sst s2  }
0x7: {  	_ = 	snop  }
0x8: {  	s2 =	sld [smem:$0x3FD0];
	_ =	sdelay $0x2  }
0x9: {  	s16 =	simm.s32 $0xA;
	s4 =	simm.s32 $0x10  }
0xa: {  	[smem:s4], [sflag:s16] =	dma.local [hbm:s2], $0x1  }
0xb: {  	_ =	swait.eq [sflag:s16], $0x1  }
0xc: {  	[sflag:s16] =	ssyncset.done $0x0  }
0xd: {  	[sflag:s16] =	ssyncadd.s32 $0xFFFFFFFF  }
0xe: {  	s17 =	sld [smem:$0x12];
	(tm) =	ssettm $0x1  }
0xf: {  	s18 =	sld [smem:$0x3FFB];
	_ =	sdelay $0x3  }
0x10: {  	_ =	strace s18  }
0x11: {  	s3 =	sld [smem:$0x3FFC];
	_ =	sdelay $0x3  }
0x12: {  	_ =	strace s3  }
0x13: {  	s3 =	sld [smem:$0x3FFD];
	_ =	sdelay $0x3  }
0x14: {  	_ =	strace s3  }
0x15: {  	_ =	strace $0x8FFFFFFF  }
0x16: {  	s19 =	sld [smem:$0x3FDB];
	_ =	sdelay $0x1  }
0x17: {  	s20 =	simm.s32 $_scs_section_size  }
0x18: {  	s5 =	simm.s32 $_size__tile_overlayer_lowered;
	s6 =	simm.s32 $_tile_overlayer_lowered  }
0x19: {  	s23 =	simm.s32 $0x1BFF;
	s22 =	sshll.u32 s6, $0x1;
	s3 =	sadd.s32 s20, s19  }
0x1a: {  	s7 =	simm.s32 $0x0;
	s21 =	sshll.u32 s5, $0x1;
	s5 =	sadd.s32 s22, s3  }
0x1b: {  	[timem:s7], [sflag:s23] =	dma.local [hbm:s5], s21  }
0x1c: {  	_ =	swait.ge [sflag:s23], s21  }
0x1d: {  	s4 =	ssub.s32 $0x0, s21;
	[sflag:s23] =	ssyncset.done $0x0  }
0x1e: {  	[sflag:s23] =	ssyncadd.s32 s4;
	_ =	sdelay $0x1  }
0x1f: {  	s24 =	simm.s32 $0x1B8B  }
0x20: {  	_ =	swait.ge [sflag:s24], $0x1  }
0x21: {  	[sflag:s24] =	ssyncset.done $0x0  }
0x22: {  	s26 =	simm.s32 $0x1B8E;
	s25 =	sld [smem:$0x3FFE];
	[sflag:s24] =	ssyncadd.s32 $0xFFFFFFFF  }
0x23: {  	s27 =	simm.s32 $execute0_lowered;
	[smem:$0x3FD2] =	sst s26  }
0x24: {  	s5 =	sshll.u32 s27, $0x1;
	_ =	strace $0x80000046;
	[dreg:$0x1] =	wrdreg $0xFFFFFFFF  }
0x25: {  	s28 =	simm.s32 $_size_execute0_lowered;
	s3 =	sadd.s32 s3, s5;
	[dreg:$0x0] =	wrdreg $0x0  }
0x26: {  	s5 =	sshll.u32 s28, $0x1;
	[dreg:$0x2] =	wrdreg s3  }
0x27: {  	[dreg:$0x3] =	wrdreg s5  }
0x28: {  	[dreg:$0x4] =	wrdreg $0xC0  }
0x29: {  	_ =	task [dreg:s7], $0x5FFFF  }
0x2a: {  	[dreg:$0x1] =	wrdreg $0xFFFFFFFF  }
0x2b: {  	[dreg:$0x0] =	wrdreg $0x60  }
0x2c: {  	[dreg:$0x2] =	wrdreg s25  }
0x2d: {  	[dreg:$0x3] =	wrdreg s17  }
0x2e: {  	[dreg:$0x4] =	wrdreg $0x9  }
0x2f: {  	_ =	task.clear_ibuf [dreg:s7], $0x5FFFF;
	_ =	strace $0x90000046  }
0x30: {  	s29 =	simm.s32 $0x9;
	_ =	strace $0x80000048  }
0x31: {  	_ =	swait.ge [sflag:s29], $0x1  }
0x32: {  	[sflag:s29] =	ssyncadd.s32 $0xFFFFFFFF  }
0x33: {  	_ =	strace $0x90000048  }
0x34: {  	_ =	sfence  }
0x35: {  	s30 =	sld [smem:$0x0];
	_ =	sdelay $0x2  }
0x36: {  	s31 =	sshll.u32 s1, $0xD;
	s1 =	sshrl.u32 s1, $0x2  }
0x37: {  	s3 =	sand.u32 $0x4000, s31;
	s1 =	sadd.s32 s1, s30  }
0x38: {  	s0 =	sor.u32 s3, s0;
	s1 =	sshll.u32 s1, $0x11  }
0x39: {  	s0 =	sor.u32 s1, s0  }
0x3a: {  	s0 =	sadd.s32 $0x8F2B, s0  }
0x3b: {  	[sflag:s0] =	ssyncadd.remote.s32 $0x1  }
0x3c: {  	_ =	sfence.sel $0xFFFF  }
0x3d: {  	[dreg:$0x0] =	wrdreg $0xFFFFFFFF;
	(pc) =	sbr.abs _section_cstart, $3  }
0x3e: {  	[dreg:$0x1] =	wrdreg $0xFFFFFFFF  }
0x3f: {  	_ =	task.clear_ibuf [dreg:s7], $0x2FFFF;
	_ =	strace $0x9FFFFFFF  }
0x40: {  	(tm) =	ssettm $0x7FFFFFFF  }
0x41: {  	_ =	shalt  }
tec
execute0_lowered:
.L_overlay_start_1:
0x0: {  	(tag) =	ssettag $0x1  }
0x1: {  	s0 =	stileid.u32  }
0x2: {  	s2 =	srdreg.scid;
	s7 =	rddreg [dreg:$0x0]  }
0x3: {  	s8 =	simm.s32 $0x2;
	s1 =	sshll.u32 s0, $0x7;
	s2 =	sshll.u32 s2, $0x7  }
0x4: {  	s16 =	simm.s32 $0x0;
	s2 =	sand.u32 $0x80, s2;
	s3 =	ssub.s32 $0x800, s1  }
0x5: {  	s4 =	sshrl.u32 s3, $0xB;
	s3 =	sand.u32 $0x780, s3;
	s5 =	ssub.s32 $0x1000, s2  }
0x6: {  	p0 =	sne.s32 s3, $0x0;
	s3 =	simm.s32 $0x1;
	s6 =	sshrl.u32 s5, $0x7  }
0x7: {  	s5 =	sshrl.u32 s5, $0x8;
	s3 =	simm.s32 @!p0 $0x0;
	s6 =	sand.u32 $0x1, s6  }
0x8: {  	s9 =	simm.s32 $0x4000;
	s3 =	sadd.s32 s3, s4;
	s5 =	sadd.s32 s5, s6  }
0x9: {  	s15 =	simm.s32 $0x0;
	s14 =	simm.s32 $0x0;
	s6 =	smul.u32 s5, s3  }
.Ltmp0:
0xa: {  	s11 =	simm.s32 $0x0;
	s4 =	rddreg [dreg:$0x1];
	(pc) =	sbr.rel .LBB1_1-.Ltmp0, $4  }
0xb: {  	s13 =	simm.s32 $0x0;
	s7 =	sadd.s32 $0x653200, s7;
	s3 =	rddreg [dreg:$0x2]  }
0xc: {  	_ =	strace $0x80000047;
	s5 =	simm.s32 $0x1;
	s6 =	smul.u32 $0x6, s6  }
0xd: {  	s12 =	smov.u32 s1;
	s10 =	smov.u32 s2;
	[sflag:s5] =	ssyncpa.u1 $0x0  }
0xe: {  	p0 =	por $0x0, $0x0;
	[sflag:s8] =	ssyncpa.u1 $0x0;
	s8 =	sor.u32 $0x1, s6  }
.LBB1_4:
0xf: {  	v5 =	vld [tilespmem:s19+$0xFFFFFFD0]  }
0x10: {  	[tilespmem:s20+$0x2040 ss:$0x81] =	vst.msk $0xffff, v1;
	v58 =	vld [tilespmem:s19+$0xFFFFFFE0]  }
0x11: {  	[tilespmem:s20+$0x2850 ss:$0x81] =	vst.msk $0xffff, v2;
	v59 =	vld [tilespmem:s19+$0xFFFFFFF0]  }
0x12: {  	s21 =	sshra.s32 s21, $0x2;
	[tilespmem:s20+$0x3060 ss:$0x81] =	vst.msk $0xffff, v3;
	v60 =	vld [tilespmem:s19+$0x0]  }
0x13: {  	[tilespmem:s20+$0x0 ss:$0x81] =	vst.msk $0xffff, v0;
	v61 =	vld [tilespmem:s19+$0x10];
	s18 =	sadd.s32 s21, s18  }
0x14: {  	s26 =	sshll.u32 s16, $0xB;
	v62 =	vld [tilespmem:s19+$0x20];
	[tilespmem:s18+$0x3870 ss:$0x81] =	vst.msk $0xffff, v4  }
0x15: {  	s27 =	sand.u32 $0x78, s14;
	s22 =	sshll.u32 s14, $0x3;
	v63 =	vld [tilespmem:s19+$0xFFFFFFC0];
	s29 =	sshll.u32 s16, $0x7;
	[tilespmem:s18+$0x810 ss:$0x81] =	vst.msk $0xffff, v5  }
0x16: {  	s15 =	sshll.u32 s15, $0x14;
	s20 =	sand.u32 $0x7FC000, s26;
	s28 =	sand.u32 $0x7FFC00, s22;
	[tilespmem:s18+$0x1020 ss:$0x81] =	vst.msk $0xffff, v58  }
0x17: {  	s31 =	sand.u32 $0x7, s14;
	s22 =	sand.u32 $0x400, s22;
	s19 =	sadd.s32 s28, s20;
	[tilespmem:s18+$0x1830 ss:$0x81] =	vst.msk $0xffff, v59  }
0x18: {  	s16 =	sand.u32 $0x380, s29;
	s30 =	sor.u32 s27, s22;
	s19 =	sshrl.u32 s19, $0x3;
	[tilespmem:s18+$0x2040 ss:$0x81] =	vst.msk $0xffff, v60  }
0x19: {  	s15 =	sadd.s32 s4, s15;
	s16 =	sor.u32 s16, s30;
	s19 =	sand.u32 $0xFFF00, s19;
	[tilespmem:s18+$0x2850 ss:$0x81] =	vst.msk $0xffff, v61  }
0x1a: {  	s14 =	sshll.u32 s31, $0x12;
	s16 =	sshrl.u32 s16, $0x3;
	[tilespmem:s18+$0x3060 ss:$0x81] =	vst.msk $0xffff, v62;
	s15 =	sadd.s32 s19, s15  }
0x1b: {  	s14 =	sor.u32 $0x400, s14;
	[tilespmem:s18+$0x0 ss:$0x81] =	vst.msk $0xffff, v63;
	s15 =	sadd.s32 s16, s15  }
0x1c: {  	[hbm4b:s15+s14] =	stream.strided.scatter [tilespmem:s17], [sflag:$0x2], $0x4000, s9, s14, $0x20;
	[tilespmem:$0x10100] =	vst v63  }
.LBB1_5:
0x1d: {  	s17 =	sadd.s32 $0x100, s10  }
0x1e: {  	s14 =	simm.s32 $0x1;
	p2 =	sgt.s32 s17, $0xFFF  }
0x1f: {  	s14 =	simm.s32 @!p2 $0x0  }
0x20: {  	s18 =	sadd.s32 s14, s11  }
0x21: {  	s20 =	smov.u32 s12;
	s14 =	sadd.s32 $0x800, s12;
	p3 =	sgt.s32 s18, $0x5  }
0x22: {  	s20 =	smov.u32 @p3 s14  }
0x23: {  	s17 =	smov.u32 @p2 s2;
	p2 =	sgt.s32 s20, $0x7FF  }
0x24: {  	p1 =	slt.u32 s13, $0x2;
	s20 =	smov.u32 @p2 s1;
	p2 =	sne.s32 s13, s8  }
.Ltmp1:
0x25: {  	s19 =	simm.s32 @!p1 $0x2;
	(pc) =	sbr.rel @!p2 .LBB1_6-.Ltmp1, $4  }
0x26: {  	s16 =	smov.u32 s10;
	s15 =	smov.u32 s11;
	_ =	swait.ge @!p1 [sflag:s19], $0x4000  }
0x27: {  	p0 =	por !p0, !p0;
	[sflag:s19] =	ssyncset.done @!p1 $0x0;
	s10 =	smov.u32 s17  }
0x28: {  	[sflag:s19] =	ssyncadd.s32 @!p1 $0xFFFFC000;
	s18 =	simm.s32 @p3 $0x0;
	s14 =	smov.u32 s12  }
0x29: {  	s11 =	smov.u32 s18;
	s13 =	sadd.s32 $0x1, s13;
	s12 =	smov.u32 s20  }
.LBB1_1:
0x2a: {  	p1 =	sge.u32 s13, s6  }
0x2b: {  	s31 =	sadd.s32 $0xFFFFFFFF, s13;
	s17 =	sxor.u32 @!p1 $0xFFFFFFFF, s13;
	s18 =	sshll.u32 @!p1 s11, $0x7  }
0x2c: {  	s19 =	sand.u32 @!p1 $0x78, s10;
	s20 =	sshll.u32 @!p1 s10, $0x3;
	s18 =	sand.u32 @!p1 $0x380, s18  }
0x2d: {  	s20 =	sand.u32 @!p1 $0xC00, s20;
	s18 =	sor.u32 @!p1 s18, s19;
	s19 =	sshll.u32 @!p1 s12, $0xC  }
0x2e: {  	s18 =	sor.u32 @!p1 s20, s18;
	s20 =	sand.u32 @!p1 $0xE00, s10;
	s19 =	sadd.s32 @!p1 s7, s19  }
0x2f: {  	s17 =	sshll.u32 @!p1 s17, $0xE;
	s19 =	sadd.s32 @!p1 s20, s19;
	s20 =	sand.u32 @!p1 $0x7, s10  }
0x30: {  	s17 =	sand.u32 @!p1 $0x4000, s17;
	s18 =	sshrl.u32 @!p1 s18, $0x3;
	s20 =	sshll.u32 @!p1 s20, $0x12  }
0x31: {  	s18 =	sadd.s32 @!p1 s18, s19;
	s19 =	sor.u32 @!p1 $0x80, s20;
	s20 =	simm.s32 @!p1 $0x8000  }
0x32: {  	[tilespmem:s17], [sflag:$0x1] =	stream.strided.gather @!p1 [hbm4b:s18+s19], $0x4000, s20, s19, $0x38;
	[tilespmem:$0x10100] =	vst v63  }
0x33: {  	p1 =	sge.u32 s31, s6  }
.Ltmp2:
0x34: {  	_ = 	snop;
	(pc) =	sbr.rel @p1 .LBB1_5-.Ltmp2, $1  }
0x35: {  	_ =	sdelay $0x3  }
0x36: {  	s17 =	simm.s32 $0x1  }
0x37: {  	_ =	swait.ge [sflag:s5], $0x4000;
	s17 =	simm.s32 @!p0 $0x0  }
0x38: {  	[sflag:s5] =	ssyncset.done $0x0;
	s18 =	sshll.u32 s17, $0xE  }
0x39: {  	[sflag:s5] =	ssyncadd.s32 $0xFFFFC000;
	s19 =	sor.u32 $0x40, s18  }
0x3a: {  	s17 =	smul.u32 $0x10200, s17;
	v0 =	vld [tilespmem:s19+$0x30]  }
0x3b: {  	v3 =	vld [tilespmem:s19+$0xFFFFFFD0]  }
0x3c: {  	s17 =	sshrl.u32 s17, $0x2;
	v4 =	vld [tilespmem:s19+$0xFFFFFFE0]  }
0x3d: {  	v5 =	vld [tilespmem:s19+$0xFFFFFFF0];
	s18 =	sor.u32 $0x8000, s17  }
0x3e: {  	s31 =	sand.u32 $0x1, s13;
	v1 =	vld [tilespmem:s19+$0x0];
	s20 =	sadd.s32 $0x0, s18  }
0x3f: {  	v2 =	vld [tilespmem:s19+$0x10];
	s17 =	smul.u32 $0x10200, s31;
	[tilespmem:s20+$0x3870 ss:$0x81] =	vst.msk $0xffff, v0  }
0x40: {  	[tilespmem:s20+$0x810 ss:$0x81] =	vst.msk $0xffff, v3;
	v3 =	vld [tilespmem:s19+$0x20]  }
0x41: {  	s17 =	sshrl.u32 s17, $0x2;
	v0 =	vld [tilespmem:s19+$0xFFFFFFC0];
	[tilespmem:s20+$0x1020 ss:$0x81] =	vst.msk $0xffff, v4;
	s19 =	sadd.s32 $0x80, s19  }
0x42: {  	s21 =	simm.s32 $0x4;
	s22 =	simm.s32 $0x8;
	s17 =	sor.u32 $0x8000, s17;
	[tilespmem:s20+$0x1830 ss:$0x81] =	vst.msk $0xffff, v5;
	v4 =	vld [tilespmem:s19+$0x30]  }
.LBB1_3:
0x43: {  	p1 =	sne.s32 s22, $0x1FC;
	v5 =	vld [tilespmem:s19+$0xFFFFFFD0];
	[tilespmem:s20+$0x2040 ss:$0x81] =	vst.msk $0xffff, v1  }
0x44: {  	v6 =	vld [tilespmem:s19+$0xFFFFFFE0];
	[tilespmem:s20+$0x2850 ss:$0x81] =	vst.msk $0xffff, v2  }
0x45: {  	s23 =	sshra.s32 s21, $0x2;
	s21 =	smov.u32 s22;
	v7 =	vld [tilespmem:s19+$0xFFFFFFF0];
	[tilespmem:s20+$0x3060 ss:$0x81] =	vst.msk $0xffff, v3  }
.Ltmp3:
0x46: {  	v1 =	vld [tilespmem:s19+$0x0];
	[tilespmem:s20+$0x0 ss:$0x81] =	vst.msk $0xffff, v0;
	s20 =	sadd.s32 s23, s18;
	(pc) =	sbr.rel @p1 .LBB1_3-.Ltmp3, $4  }
0x47: {  	v2 =	vld [tilespmem:s19+$0x10];
	[tilespmem:s20+$0x3870 ss:$0x81] =	vst.msk $0xffff, v4  }
0x48: {  	[tilespmem:s20+$0x810 ss:$0x81] =	vst.msk $0xffff, v5;
	v3 =	vld [tilespmem:s19+$0x20]  }
0x49: {  	v0 =	vld [tilespmem:s19+$0xFFFFFFC0];
	[tilespmem:s20+$0x1020 ss:$0x81] =	vst.msk $0xffff, v6;
	s19 =	sadd.s32 $0x80, s19  }
0x4a: {  	s22 =	sadd.s32 $0x4, s22;
	v4 =	vld [tilespmem:s19+$0x30];
	[tilespmem:s20+$0x1830 ss:$0x81] =	vst.msk $0xffff, v7  }
.Ltmp4:
0x4b: {  	_ = 	snop;
	(pc) =	sbr.rel .LBB1_4-.Ltmp4, $1  }
0x4c: {  	_ =	sdelay $0x3  }
.LBB1_6:
0x4d: {  	_ =	sfence.sel $0x180000  }
0x4e: {  	s1 =	simm.s32 $0x1;
	[bflag:$0x0] =	sbarrier.arrive $0xFFFF  }
0x4f: {  	s31 =	simm.s32 $0x2;
	[sflag:s1] =	ssyncpa.u1 $0x1  }
0x50: {  	[sflag:s31] =	ssyncpa.u1 $0x1  }
0x51: {  	p0 =	sne.s32 s0, $0x0;
	_ =	strace $0x90000047  }
0x52: {  	s0 =	sadd.s32 @!p0 $0x100000, s3;
	[bflag:$0x2] =	sbarrier.arrive $0xFFFF  }
0x53: {  	[sflag:s0] =	ssyncadd.tile.s32 @!p0 $0x1;
	_ =	shalt  }
.Lfunc_end1:
_tile_overlayer_lowered:
.L_overlay_start_2:
0x54: {  	(tag) =	ssettag $0x2  }
0x55: {  	s0 =	rddreg [dreg:$0x0];
	s2 =	stileid.u32  }
0x56: {  	s1 =	rddreg [dreg:$0x1];
	p0 =	sne.s32 s2, $0x0  }
0x57: {  	s3 =	rddreg [dreg:$0x2];
	[bflag:$0x3] =	sbarrier.arrive $0xFFFF;
	s2 =	simm.s32 @!p0 $0x1C01  }
0x58: {  	[timem:s3], [sflag:s2] =	dma.local @!p0 [hbm:s0], s1  }
0x59: {  	s0 =	simm.s32 @!p0 $0x1  }
0x5a: {  	_ =	swait.ge @!p0 [sflag:s0], s1  }
0x5b: {  	s1 =	ssub.s32 @!p0 $0x0, s1;
	[sflag:s0] =	ssyncset.done @!p0 $0x0  }
0x5c: {  	[sflag:s0] =	ssyncadd.s32 @!p0 s1  }
0x5d: {  	[bflag:$0x3] =	sbarrier.arrive $0xFFFF  }
0x5e: {  	_ =	shalt  }

</sc_bundles>
